<compile_context>
chip_gen: v7x
topology: tpu7x:2x2x1
jax: 0.10.2.dev20260603
libtpu: 0.0.44.dev20260713+nightly
codegen_flags: <defaults>
</compile_context>

<pallas_src>
import functools

import jax
import jax.numpy as jnp
from jax import lax
from jax.experimental import pallas as pl
from jax.experimental.pallas import tpu as pltpu
from jax.experimental.pallas import tpu_sc as plsc

B = 16384
E = 32
PACK = 128 // E
NC, NS = 2, 16
NW = NC * NS
BPW = B // NW
CHUNK = 128
NCH = BPW // CHUNK

BLK = 2048

LB = 1024
SUB = LB // PACK


def _widen_body(x_ref, o_ref):
    x = x_ref[...]
    o_ref[...] = jnp.concatenate(
        [jnp.transpose(x[:, k * SUB:(k + 1) * SUB], (1, 0))
         for k in range(PACK)], axis=1)


def _widen(table_t):
    n = table_t.shape[1]
    grid = -(-n // LB)
    return pl.pallas_call(
        _widen_body,
        grid_spec=pl.GridSpec(
            grid=(grid,),
            in_specs=[pl.BlockSpec((E, LB), lambda i: (0, i))],
            out_specs=pl.BlockSpec((SUB, 128), lambda i: (i, 0))),
        out_shape=jax.ShapeDtypeStruct((grid * SUB, 128), jnp.float32),
    )(table_t)


def _sc_gather_wide(ut_r, it_r, uidx, iidx):
    mesh = plsc.VectorSubcoreMesh(core_axis_name="c", subcore_axis_name="s")
    out_type = (jax.ShapeDtypeStruct((B, 128), jnp.float32),
                jax.ShapeDtypeStruct((B, 128), jnp.float32))

    @functools.partial(
        pl.kernel, mesh=mesh, out_type=out_type,
        scratch_types=[
            pltpu.VMEM((CHUNK,), jnp.int32),
            pltpu.VMEM((CHUNK,), jnp.int32),
            pltpu.VMEM((CHUNK, 128), jnp.float32),
            pltpu.VMEM((CHUNK, 128), jnp.float32),
            pltpu.SemaphoreType.DMA,
            pltpu.SemaphoreType.DMA,
        ],
    )
    def gather_kernel(ut_hbm, it_hbm, ui_hbm, ii_hbm, uo_hbm, io_hbm,
                      uidx_v, iidx_v, ubuf, ibuf, usem, isem):
        wid = lax.axis_index("s") * NC + lax.axis_index("c")

        @pl.loop(0, NCH)
        def _(c):
            base = pl.multiple_of(wid * BPW + c * CHUNK, CHUNK)
            pltpu.sync_copy(ui_hbm.at[pl.ds(base, CHUNK)], uidx_v)
            pltpu.sync_copy(ii_hbm.at[pl.ds(base, CHUNK)], iidx_v)
            cu = pltpu.async_copy(ut_hbm.at[uidx_v], ubuf, usem)
            ci = pltpu.async_copy(it_hbm.at[iidx_v], ibuf, isem)
            cu.wait()
            ci.wait()
            pltpu.sync_copy(ubuf, uo_hbm.at[pl.ds(base, CHUNK)])
            pltpu.sync_copy(ibuf, io_hbm.at[pl.ds(base, CHUNK)])

    return gather_kernel(ut_r, it_r, uidx, iidx)


def _mlp_body(uw_ref, iw_ref, uo_ref, io_ref,
              w1m_ref, b1m_ref, w2m_ref, b2m_ref, w3m_ref, b3m_ref,
              w1a_ref, b1a_ref, w2a_ref, b2a_ref, w3a_ref, b3a_ref,
              ctr_ref, ctcvr_ref):
    prec = lax.Precision.HIGHEST
    uw = uw_ref[...]
    iw = iw_ref[...]
    uo = uo_ref[...]
    io = io_ref[...]
    u = jnp.zeros((uw.shape[0], E), jnp.float32)
    it = jnp.zeros((iw.shape[0], E), jnp.float32)
    for k in range(PACK):
        u = jnp.where(uo == k, uw[:, k * E:(k + 1) * E], u)
        it = jnp.where(io == k, iw[:, k * E:(k + 1) * E], it)
    v = jnp.concatenate([u, it], axis=1)
    h = jnp.maximum(jnp.dot(v, w1m_ref[...], precision=prec) + b1m_ref[...], 0.0)
    h = jnp.maximum(jnp.dot(h, w2m_ref[...], precision=prec) + b2m_ref[...], 0.0)
    cvr = jax.nn.sigmoid(
        jnp.sum(h * w3m_ref[...], axis=1, keepdims=True) + b3m_ref[...])
    g = jnp.maximum(jnp.dot(v, w1a_ref[...], precision=prec) + b1a_ref[...], 0.0)
    g = jnp.maximum(jnp.dot(g, w2a_ref[...], precision=prec) + b2a_ref[...], 0.0)
    ctr = jax.nn.sigmoid(
        jnp.sum(g * w3a_ref[...], axis=1, keepdims=True) + b3a_ref[...])
    ctr_ref[...] = ctr
    ctcvr_ref[...] = ctr * cvr


def _mlp(u_wide, it_wide, u_off, it_off, W1m, b1m, W2m, b2m, W3m, b3m,
         W1a, b1a, W2a, b2a, W3a, b3a):
    M = W1m.shape[1]
    A = W1a.shape[1]
    full = lambda shape: pl.BlockSpec(shape, lambda i: (0, 0))
    grid_spec = pl.GridSpec(
        grid=(B // BLK,),
        in_specs=[
            pl.BlockSpec((BLK, 128), lambda i: (i, 0)),
            pl.BlockSpec((BLK, 128), lambda i: (i, 0)),
            pl.BlockSpec((BLK, 1), lambda i: (i, 0)),
            pl.BlockSpec((BLK, 1), lambda i: (i, 0)),
            full((2 * E, M)), full((1, M)), full((M, M)), full((1, M)),
            full((1, M)), full((1, 1)),
            full((2 * E, A)), full((1, A)), full((A, A)), full((1, A)),
            full((1, A)), full((1, 1)),
        ],
        out_specs=(
            pl.BlockSpec((BLK, 1), lambda i: (i, 0)),
            pl.BlockSpec((BLK, 1), lambda i: (i, 0)),
        ),
    )
    return pl.pallas_call(
        _mlp_body,
        grid_spec=grid_spec,
        out_shape=(jax.ShapeDtypeStruct((B, 1), jnp.float32),
                   jax.ShapeDtypeStruct((B, 1), jnp.float32)),
    )(u_wide, it_wide, u_off, it_off,
      W1m, b1m.reshape(1, M), W2m, b2m.reshape(1, M),
      W3m.reshape(1, M), b3m.reshape(1, 1),
      W1a, b1a.reshape(1, A), W2a, b2a.reshape(1, A),
      W3a.reshape(1, A), b3a.reshape(1, 1))


def kernel(user, item, user_table, item_table, W1m, b1m, W2m, b2m, W3m, b3m,
           W1a, b1a, W2a, b2a, W3a, b3a):
    user = user.astype(jnp.int32)
    item = item.astype(jnp.int32)
    ut_r = _widen(user_table.T)
    it_r = _widen(item_table.T)
    uidx = (user // LB) * SUB + user % SUB
    iidx = (item // LB) * SUB + item % SUB
    u_wide, it_wide = _sc_gather_wide(ut_r, it_r, uidx, iidx)
    uoff = ((user % LB) // SUB).reshape(B, 1)
    ioff = ((item % LB) // SUB).reshape(B, 1)
    ctr, ctcvr = _mlp(u_wide, it_wide, uoff, ioff,
                      W1m, b1m, W2m, b2m, W3m, b3m,
                      W1a, b1a, W2a, b2a, W3a, b3a)
    return ctr, ctcvr

# --- scband reference (transcript-rebuilt; emitter-appended) ---
"""Pipeline reference for scband-esmm-73675868996389 (READ-ONLY COPY).

The authoritative reference and input builder live on the scoring server;
editing this copy changes nothing except your own understanding.
"""

import jax, jax.numpy as jnp
import numpy as np

B = 16384
U = 1000000
I = 100000
E = 32
M = 128
A = 64

def setup_inputs(seed: int = 0) -> dict:
    key = jax.random.key(seed)
    ks = jax.random.split(key, 20)
    inp = {}
    inp['user'] = jax.random.randint(ks[0], (B,), 0, U, dtype=jnp.int64) if jax.config.jax_enable_x64 else jax.random.randint(ks[0], (B,), 0, U, dtype=jnp.int32)
    inp['item'] = jax.random.randint(ks[1], (B,), 0, I, dtype=jnp.int32)
    inp['user_table'] = jax.random.normal(ks[2], (U, E), dtype=jnp.float32) * 0.02
    inp['item_table'] = jax.random.normal(ks[3], (I, E), dtype=jnp.float32) * 0.02
    # main tower (cvr)
    inp['W1m'] = jax.random.normal(ks[4], (2 * E, M), dtype=jnp.float32) * (1.0 / np.sqrt(2 * E))
    inp['b1m'] = jnp.zeros((M,), dtype=jnp.float32)
    inp['W2m'] = jax.random.normal(ks[5], (M, M), dtype=jnp.float32) * (1.0 / np.sqrt(M))
    inp['b2m'] = jnp.zeros((M,), dtype=jnp.float32)
    inp['W3m'] = jax.random.normal(ks[6], (M, 1), dtype=jnp.float32) * (1.0 / np.sqrt(M))
    inp['b3m'] = jnp.zeros((1,), dtype=jnp.float32)
    # auxiliary tower (ctr)
    inp['W1a'] = jax.random.normal(ks[7], (2 * E, A), dtype=jnp.float32) * (1.0 / np.sqrt(2 * E))
    inp['b1a'] = jnp.zeros((A,), dtype=jnp.float32)
    inp['W2a'] = jax.random.normal(ks[8], (A, A), dtype=jnp.float32) * (1.0 / np.sqrt(A))
    inp['b2a'] = jnp.zeros((A,), dtype=jnp.float32)
    inp['W3a'] = jax.random.normal(ks[9], (A, 1), dtype=jnp.float32) * (1.0 / np.sqrt(A))
    inp['b3a'] = jnp.zeros((1,), dtype=jnp.float32)
    return inp

def reference(user, item, user_table, item_table,
              W1m, b1m, W2m, b2m, W3m, b3m,
              W1a, b1a, W2a, b2a, W3a, b3a):
    u = jnp.take(user_table, user, axis=0)
    it = jnp.take(item_table, item, axis=0)
    vector = jnp.concatenate([u, it], axis=-1)
    # main MLP -> cvr
    h = jax.nn.relu(vector @ W1m + b1m)
    h = jax.nn.relu(h @ W2m + b2m)
    cvr = jax.nn.sigmoid(h @ W3m + b3m)
    # auxiliary MLP -> ctr
    g = jax.nn.relu(vector @ W1a + b1a)
    g = jax.nn.relu(g @ W2a + b2a)
    ctr = jax.nn.sigmoid(g @ W3a + b3a)
    ctcvr = ctr * cvr
    return (ctr, ctcvr)

if __name__ == "__main__":
    import jax
    _d = setup_inputs()
    print(jax.jit(kernel)(*tuple(_d.values())))

</pallas_src>

<mosaic_0001>
#map = affine_map<(d0, d1) -> (0, 0)>
#map1 = affine_map<(d0, d1) -> (0)>
module attributes {stable_mosaic.version = 14 : i64} {
  func.func @gather_kernel(%arg0: i32, %arg1: i32, %arg2: memref<250112x128xf32, #tpu.memory_space<hbm>>, %arg3: memref<25088x128xf32, #tpu.memory_space<hbm>>, %arg4: memref<16384xi32, #tpu.memory_space<hbm>>, %arg5: memref<16384xi32, #tpu.memory_space<hbm>>, %arg6: memref<16384x128xf32, #tpu.memory_space<hbm>>, %arg7: memref<16384x128xf32, #tpu.memory_space<hbm>>, %arg8: memref<128xi32, #tpu.memory_space<vmem>>, %arg9: memref<128xi32, #tpu.memory_space<vmem>>, %arg10: memref<128x128xf32, #tpu.memory_space<vmem>>, %arg11: memref<128x128xf32, #tpu.memory_space<vmem>>, %arg12: memref<!tpu.dma_semaphore, #tpu.memory_space<semaphore_mem>>, %arg13: memref<!tpu.dma_semaphore, #tpu.memory_space<semaphore_mem>>) attributes {dimension_semantics = [#tpu.dimension_semantics<core_parallel>, #tpu.dimension_semantics<subcore_parallel>], iteration_bounds = array<i64: 2, 16>, scalar_prefetch = 0 : i64, scratch_operands = 6 : i64, tpu.core_type = #tpu.core_type<sc_vector_subcore>, window_params = [{transform_indices = #map}, {transform_indices = #map}, {transform_indices = #map1}, {transform_indices = #map1}, {transform_indices = #map}, {transform_indices = #map}]} {
    %mul3A = arith.constant 2 : i32
    %mul3A_0 = arith.muli %arg1, %mul3A : i32
    %add3A = arith.addi %mul3A_0, %arg0 : i32
    %scan3A = arith.constant 0 : i32
    %scan3A_1 = arith.constant 4 : i32
    %scan3A_2 = arith.addi %scan3A, %scan3A_1 : i32
    %scan3A_3 = arith.constant 1 : i32
    scf.for %scan3A_5 = %scan3A to %scan3A_2 step %scan3A_3  : i32 {
      %mul3A_6 = arith.constant 1 : i32
      %mul3A_7 = arith.muli %scan3A_5, %mul3A_6 : i32
      %add3A_8 = arith.constant 0 : i32
      %add3A_9 = arith.addi %add3A_8, %mul3A_7 : i32
      %mul3A_10 = arith.constant 512 : i32
      %mul3A_11 = arith.muli %add3A, %mul3A_10 : i32
      %mul3A_12 = arith.constant 128 : i32
      %mul3A_13 = arith.muli %add3A_9, %mul3A_12 : i32
      %add3A_14 = arith.addi %mul3A_11, %mul3A_13 : i32
      %multiple_of3A = tpu.assume_multiple %add3A_14, 128 : i32
      "tpu.region"() ({
        %run_scoped3A = tpu.sem_alloc : memref<!tpu.dma_semaphore, #tpu.memory_space<semaphore_mem>>
        %dma_start3A_25 = tpu.memref_slice %arg4[%multiple_of3A] : memref<16384xi32, #tpu.memory_space<hbm>> -> memref<128xi32, #tpu.memory_space<hbm>>
        %dma_start3A_26 = tpu.memref_slice %arg4[%multiple_of3A] : memref<16384xi32, #tpu.memory_space<hbm>> -> memref<128xi32, #tpu.memory_space<hbm>>
        tpu.enqueue_dma source(%dma_start3A_26 : memref<128xi32, #tpu.memory_space<hbm>>) target(%arg8 : memref<128xi32, #tpu.memory_space<vmem>>) target_semaphore(%run_scoped3A : memref<!tpu.dma_semaphore, #tpu.memory_space<semaphore_mem>>)
        %dma_wait3A_27 = tpu.memref_slice %arg4[%multiple_of3A] : memref<16384xi32, #tpu.memory_space<hbm>> -> memref<128xi32, #tpu.memory_space<hbm>>
        %dma_wait3A_28 = tpu.memref_slice %arg4[%multiple_of3A] : memref<16384xi32, #tpu.memory_space<hbm>> -> memref<128xi32, #tpu.memory_space<hbm>>
        tpu.wait_dma2 semaphore(%run_scoped3A : memref<!tpu.dma_semaphore, #tpu.memory_space<semaphore_mem>>) src(%dma_wait3A_28 : memref<128xi32, #tpu.memory_space<hbm>>) dst(%arg8 : memref<128xi32, #tpu.memory_space<vmem>>)
        tpu.yield
      }) : () -> ()
      "tpu.region"() ({
        %run_scoped3A = tpu.sem_alloc : memref<!tpu.dma_semaphore, #tpu.memory_space<semaphore_mem>>
        %dma_start3A_25 = tpu.memref_slice %arg5[%multiple_of3A] : memref<16384xi32, #tpu.memory_space<hbm>> -> memref<128xi32, #tpu.memory_space<hbm>>
        %dma_start3A_26 = tpu.memref_slice %arg5[%multiple_of3A] : memref<16384xi32, #tpu.memory_space<hbm>> -> memref<128xi32, #tpu.memory_space<hbm>>
        tpu.enqueue_dma source(%dma_start3A_26 : memref<128xi32, #tpu.memory_space<hbm>>) target(%arg9 : memref<128xi32, #tpu.memory_space<vmem>>) target_semaphore(%run_scoped3A : memref<!tpu.dma_semaphore, #tpu.memory_space<semaphore_mem>>)
        %dma_wait3A_27 = tpu.memref_slice %arg5[%multiple_of3A] : memref<16384xi32, #tpu.memory_space<hbm>> -> memref<128xi32, #tpu.memory_space<hbm>>
        %dma_wait3A_28 = tpu.memref_slice %arg5[%multiple_of3A] : memref<16384xi32, #tpu.memory_space<hbm>> -> memref<128xi32, #tpu.memory_space<hbm>>
        tpu.wait_dma2 semaphore(%run_scoped3A : memref<!tpu.dma_semaphore, #tpu.memory_space<semaphore_mem>>) src(%dma_wait3A_28 : memref<128xi32, #tpu.memory_space<hbm>>) dst(%arg9 : memref<128xi32, #tpu.memory_space<vmem>>)
        tpu.yield
      }) : () -> ()
      %dma_start3A = arith.constant 0 : i32
      %dma_start3A_15 = arith.constant 0 : i32
      %dma_start3A_16 = tpu.memref_slice %arg2[%dma_start3A, %dma_start3A_15] : memref<250112x128xf32, #tpu.memory_space<hbm>> -> memref<250112x128xf32, #tpu.memory_space<hbm>>
      tpu.enqueue_indirect_dma source(%dma_start3A_16 : memref<250112x128xf32, #tpu.memory_space<hbm>>) target(%arg10 : memref<128x128xf32, #tpu.memory_space<vmem>>) offsets(%arg8 : memref<128xi32, #tpu.memory_space<vmem>>) semaphore(%arg12 : memref<!tpu.dma_semaphore, #tpu.memory_space<semaphore_mem>>)
      %dma_start3A_17 = arith.constant 0 : i32
      %dma_start3A_18 = arith.constant 0 : i32
      %dma_start3A_19 = tpu.memref_slice %arg3[%dma_start3A_17, %dma_start3A_18] : memref<25088x128xf32, #tpu.memory_space<hbm>> -> memref<25088x128xf32, #tpu.memory_space<hbm>>
      tpu.enqueue_indirect_dma source(%dma_start3A_19 : memref<25088x128xf32, #tpu.memory_space<hbm>>) target(%arg11 : memref<128x128xf32, #tpu.memory_space<vmem>>) offsets(%arg9 : memref<128xi32, #tpu.memory_space<vmem>>) semaphore(%arg13 : memref<!tpu.dma_semaphore, #tpu.memory_space<semaphore_mem>>)
      %dma_wait3A = arith.constant 0 : i32
      %dma_wait3A_20 = arith.constant 0 : i32
      %dma_wait3A_21 = tpu.memref_slice %arg2[%dma_wait3A, %dma_wait3A_20] : memref<250112x128xf32, #tpu.memory_space<hbm>> -> memref<250112x128xf32, #tpu.memory_space<hbm>>
      tpu.wait_indirect_dma semaphore(%arg12 : memref<!tpu.dma_semaphore, #tpu.memory_space<semaphore_mem>>) src(%dma_wait3A_21 : memref<250112x128xf32, #tpu.memory_space<hbm>>) dst(%arg10 : memref<128x128xf32, #tpu.memory_space<vmem>>)
      %dma_wait3A_22 = arith.constant 0 : i32
      %dma_wait3A_23 = arith.constant 0 : i32
      %dma_wait3A_24 = tpu.memref_slice %arg3[%dma_wait3A_22, %dma_wait3A_23] : memref<25088x128xf32, #tpu.memory_space<hbm>> -> memref<25088x128xf32, #tpu.memory_space<hbm>>
      tpu.wait_indirect_dma semaphore(%arg13 : memref<!tpu.dma_semaphore, #tpu.memory_space<semaphore_mem>>) src(%dma_wait3A_24 : memref<25088x128xf32, #tpu.memory_space<hbm>>) dst(%arg11 : memref<128x128xf32, #tpu.memory_space<vmem>>)
      "tpu.region"() ({
        %run_scoped3A = tpu.sem_alloc : memref<!tpu.dma_semaphore, #tpu.memory_space<semaphore_mem>>
        %dma_start3A_25 = arith.constant 0 : i32
        %dma_start3A_26 = tpu.memref_slice %arg6[%multiple_of3A, %dma_start3A_25] : memref<16384x128xf32, #tpu.memory_space<hbm>> -> memref<128x128xf32, #tpu.memory_space<hbm>>
        %dma_start3A_27 = arith.constant 0 : i32
        %dma_start3A_28 = tpu.memref_slice %arg6[%multiple_of3A, %dma_start3A_27] : memref<16384x128xf32, #tpu.memory_space<hbm>> -> memref<128x128xf32, #tpu.memory_space<hbm>>
        tpu.enqueue_dma source(%arg10 : memref<128x128xf32, #tpu.memory_space<vmem>>) target(%dma_start3A_28 : memref<128x128xf32, #tpu.memory_space<hbm>>) target_semaphore(%run_scoped3A : memref<!tpu.dma_semaphore, #tpu.memory_space<semaphore_mem>>)
        %dma_wait3A_29 = arith.constant 0 : i32
        %dma_wait3A_30 = tpu.memref_slice %arg6[%multiple_of3A, %dma_wait3A_29] : memref<16384x128xf32, #tpu.memory_space<hbm>> -> memref<128x128xf32, #tpu.memory_space<hbm>>
        %dma_wait3A_31 = arith.constant 0 : i32
        %dma_wait3A_32 = tpu.memref_slice %arg6[%multiple_of3A, %dma_wait3A_31] : memref<16384x128xf32, #tpu.memory_space<hbm>> -> memref<128x128xf32, #tpu.memory_space<hbm>>
        tpu.wait_dma2 semaphore(%run_scoped3A : memref<!tpu.dma_semaphore, #tpu.memory_space<semaphore_mem>>) src(%arg10 : memref<128x128xf32, #tpu.memory_space<vmem>>) dst(%dma_wait3A_32 : memref<128x128xf32, #tpu.memory_space<hbm>>)
        tpu.yield
      }) : () -> ()
      "tpu.region"() ({
        %run_scoped3A = tpu.sem_alloc : memref<!tpu.dma_semaphore, #tpu.memory_space<semaphore_mem>>
        %dma_start3A_25 = arith.constant 0 : i32
        %dma_start3A_26 = tpu.memref_slice %arg7[%multiple_of3A, %dma_start3A_25] : memref<16384x128xf32, #tpu.memory_space<hbm>> -> memref<128x128xf32, #tpu.memory_space<hbm>>
        %dma_start3A_27 = arith.constant 0 : i32
        %dma_start3A_28 = tpu.memref_slice %arg7[%multiple_of3A, %dma_start3A_27] : memref<16384x128xf32, #tpu.memory_space<hbm>> -> memref<128x128xf32, #tpu.memory_space<hbm>>
        tpu.enqueue_dma source(%arg11 : memref<128x128xf32, #tpu.memory_space<vmem>>) target(%dma_start3A_28 : memref<128x128xf32, #tpu.memory_space<hbm>>) target_semaphore(%run_scoped3A : memref<!tpu.dma_semaphore, #tpu.memory_space<semaphore_mem>>)
        %dma_wait3A_29 = arith.constant 0 : i32
        %dma_wait3A_30 = tpu.memref_slice %arg7[%multiple_of3A, %dma_wait3A_29] : memref<16384x128xf32, #tpu.memory_space<hbm>> -> memref<128x128xf32, #tpu.memory_space<hbm>>
        %dma_wait3A_31 = arith.constant 0 : i32
        %dma_wait3A_32 = tpu.memref_slice %arg7[%multiple_of3A, %dma_wait3A_31] : memref<16384x128xf32, #tpu.memory_space<hbm>> -> memref<128x128xf32, #tpu.memory_space<hbm>>
        tpu.wait_dma2 semaphore(%run_scoped3A : memref<!tpu.dma_semaphore, #tpu.memory_space<semaphore_mem>>) src(%arg11 : memref<128x128xf32, #tpu.memory_space<vmem>>) dst(%dma_wait3A_32 : memref<128x128xf32, #tpu.memory_space<hbm>>)
        tpu.yield
      }) : () -> ()
    }
    %scan3A_4 = arith.constant 4 : i32
    return
  }
}

module attributes {stable_mosaic.version = 14 : i64} {
  func.func @_widen_body(%arg0: i32, %arg1: memref<32x1024xf32, #tpu.memory_space<vmem>>, %arg2: memref<256x128xf32, #tpu.memory_space<vmem>>) attributes {dimension_semantics = [#tpu.dimension_semantics<arbitrary>], iteration_bounds = array<i64: 977>, scalar_prefetch = 0 : i64, scratch_operands = 0 : i64, tpu.core_type = #tpu.core_type<tc>, window_params = [{transform_indices = @transform_0, window_bounds = array<i64: 32, 1024>}, {transform_indices = @transform_1, window_bounds = array<i64: 256, 128>}]} {
    %get3A = arith.constant 0 : index
    %get3A_0 = arith.constant 0 : index
    %get3A_1 = vector.load %arg1[%get3A, %get3A_0] : memref<32x1024xf32, #tpu.memory_space<vmem>>, vector<32x1024xf32>
    %slice3A = vector.extract_strided_slice %get3A_1 {offsets = [0, 0], sizes = [32, 256], strides = [1, 1]} : vector<32x1024xf32> to vector<32x256xf32>
    %transpose3A = tpu.transpose %slice3A, [1, 0] : vector<32x256xf32> -> vector<256x32xf32>
    %slice3A_2 = vector.extract_strided_slice %get3A_1 {offsets = [0, 256], sizes = [32, 256], strides = [1, 1]} : vector<32x1024xf32> to vector<32x256xf32>
    %transpose3A_3 = tpu.transpose %slice3A_2, [1, 0] : vector<32x256xf32> -> vector<256x32xf32>
    %slice3A_4 = vector.extract_strided_slice %get3A_1 {offsets = [0, 512], sizes = [32, 256], strides = [1, 1]} : vector<32x1024xf32> to vector<32x256xf32>
    %transpose3A_5 = tpu.transpose %slice3A_4, [1, 0] : vector<32x256xf32> -> vector<256x32xf32>
    %slice3A_6 = vector.extract_strided_slice %get3A_1 {offsets = [0, 768], sizes = [32, 256], strides = [1, 1]} : vector<32x1024xf32> to vector<32x256xf32>
    %transpose3A_7 = tpu.transpose %slice3A_6, [1, 0] : vector<32x256xf32> -> vector<256x32xf32>
    %concatenate3A = tpu.concatenate %transpose3A, %transpose3A_3, %transpose3A_5, %transpose3A_7 in 1 : vector<256x32xf32>, vector<256x32xf32>, vector<256x32xf32>, vector<256x32xf32> -> vector<256x128xf32>
    %swap3A = arith.constant 0 : index
    %swap3A_8 = arith.constant 0 : index
    %swap3A_9 = vector.load %arg2[%swap3A, %swap3A_8] : memref<256x128xf32, #tpu.memory_space<vmem>>, vector<256x128xf32>
    tpu.vector_store %arg2[%swap3A, %swap3A_8], %concatenate3A {strides = array<i32>} : memref<256x128xf32, #tpu.memory_space<vmem>>, vector<256x128xf32>,
    return
  }
  func.func @transform_0(%arg0: i32) -> (i32, i32) {
    %c0_i32 = arith.constant 0 : i32
    %c0_i32_0 = arith.constant 0 : i32
    return %c0_i32, %arg0 : i32, i32
  }
  func.func @transform_1(%arg0: i32) -> (i32, i32) {
    %c0_i32 = arith.constant 0 : i32
    %c0_i32_0 = arith.constant 0 : i32
    return %arg0, %c0_i32 : i32, i32
  }
}

module attributes {stable_mosaic.version = 14 : i64} {
  func.func @_widen_body(%arg0: i32, %arg1: memref<32x1024xf32, #tpu.memory_space<vmem>>, %arg2: memref<256x128xf32, #tpu.memory_space<vmem>>) attributes {dimension_semantics = [#tpu.dimension_semantics<arbitrary>], iteration_bounds = array<i64: 98>, scalar_prefetch = 0 : i64, scratch_operands = 0 : i64, tpu.core_type = #tpu.core_type<tc>, window_params = [{transform_indices = @transform_0, window_bounds = array<i64: 32, 1024>}, {transform_indices = @transform_1, window_bounds = array<i64: 256, 128>}]} {
    %get3A = arith.constant 0 : index
    %get3A_0 = arith.constant 0 : index
    %get3A_1 = vector.load %arg1[%get3A, %get3A_0] : memref<32x1024xf32, #tpu.memory_space<vmem>>, vector<32x1024xf32>
    %slice3A = vector.extract_strided_slice %get3A_1 {offsets = [0, 0], sizes = [32, 256], strides = [1, 1]} : vector<32x1024xf32> to vector<32x256xf32>
    %transpose3A = tpu.transpose %slice3A, [1, 0] : vector<32x256xf32> -> vector<256x32xf32>
    %slice3A_2 = vector.extract_strided_slice %get3A_1 {offsets = [0, 256], sizes = [32, 256], strides = [1, 1]} : vector<32x1024xf32> to vector<32x256xf32>
    %transpose3A_3 = tpu.transpose %slice3A_2, [1, 0] : vector<32x256xf32> -> vector<256x32xf32>
    %slice3A_4 = vector.extract_strided_slice %get3A_1 {offsets = [0, 512], sizes = [32, 256], strides = [1, 1]} : vector<32x1024xf32> to vector<32x256xf32>
    %transpose3A_5 = tpu.transpose %slice3A_4, [1, 0] : vector<32x256xf32> -> vector<256x32xf32>
    %slice3A_6 = vector.extract_strided_slice %get3A_1 {offsets = [0, 768], sizes = [32, 256], strides = [1, 1]} : vector<32x1024xf32> to vector<32x256xf32>
    %transpose3A_7 = tpu.transpose %slice3A_6, [1, 0] : vector<32x256xf32> -> vector<256x32xf32>
    %concatenate3A = tpu.concatenate %transpose3A, %transpose3A_3, %transpose3A_5, %transpose3A_7 in 1 : vector<256x32xf32>, vector<256x32xf32>, vector<256x32xf32>, vector<256x32xf32> -> vector<256x128xf32>
    %swap3A = arith.constant 0 : index
    %swap3A_8 = arith.constant 0 : index
    %swap3A_9 = vector.load %arg2[%swap3A, %swap3A_8] : memref<256x128xf32, #tpu.memory_space<vmem>>, vector<256x128xf32>
    tpu.vector_store %arg2[%swap3A, %swap3A_8], %concatenate3A {strides = array<i32>} : memref<256x128xf32, #tpu.memory_space<vmem>>, vector<256x128xf32>,
    return
  }
  func.func @transform_0(%arg0: i32) -> (i32, i32) {
    %c0_i32 = arith.constant 0 : i32
    %c0_i32_0 = arith.constant 0 : i32
    return %c0_i32, %arg0 : i32, i32
  }
  func.func @transform_1(%arg0: i32) -> (i32, i32) {
    %c0_i32 = arith.constant 0 : i32
    %c0_i32_0 = arith.constant 0 : i32
    return %arg0, %c0_i32 : i32, i32
  }
}

module attributes {stable_mosaic.version = 14 : i64} {
  func.func @_mlp_body(%arg0: i32, %arg1: memref<2048x128xf32, #tpu.memory_space<vmem>>, %arg2: memref<2048x128xf32, #tpu.memory_space<vmem>>, %arg3: memref<2048x1xi32, #tpu.memory_space<vmem>>, %arg4: memref<2048x1xi32, #tpu.memory_space<vmem>>, %arg5: memref<64x128xf32, #tpu.memory_space<vmem>>, %arg6: memref<1x128xf32, #tpu.memory_space<vmem>>, %arg7: memref<128x128xf32, #tpu.memory_space<vmem>>, %arg8: memref<1x128xf32, #tpu.memory_space<vmem>>, %arg9: memref<1x128xf32, #tpu.memory_space<vmem>>, %arg10: memref<1x1xf32, #tpu.memory_space<vmem>>, %arg11: memref<64x64xf32, #tpu.memory_space<vmem>>, %arg12: memref<1x64xf32, #tpu.memory_space<vmem>>, %arg13: memref<64x64xf32, #tpu.memory_space<vmem>>, %arg14: memref<1x64xf32, #tpu.memory_space<vmem>>, %arg15: memref<1x64xf32, #tpu.memory_space<vmem>>, %arg16: memref<1x1xf32, #tpu.memory_space<vmem>>, %arg17: memref<2048x1xf32, #tpu.memory_space<vmem>>, %arg18: memref<2048x1xf32, #tpu.memory_space<vmem>>) attributes {dimension_semantics = [#tpu.dimension_semantics<arbitrary>], iteration_bounds = array<i64: 8>, scalar_prefetch = 0 : i64, scratch_operands = 0 : i64, tpu.core_type = #tpu.core_type<tc>, window_params = [{transform_indices = @transform_0, window_bounds = array<i64: 2048, 128>}, {transform_indices = @transform_1, window_bounds = array<i64: 2048, 128>}, {transform_indices = @transform_2, window_bounds = array<i64: 2048, 1>}, {transform_indices = @transform_3, window_bounds = array<i64: 2048, 1>}, {pipeline_mode = #tpu.pipeline_mode<synchronous>, transform_indices = @transform_4, window_bounds = array<i64: 64, 128>}, {pipeline_mode = #tpu.pipeline_mode<synchronous>, transform_indices = @transform_5, window_bounds = array<i64: 1, 128>}, {pipeline_mode = #tpu.pipeline_mode<synchronous>, transform_indices = @transform_6, window_bounds = array<i64: 128, 128>}, {pipeline_mode = #tpu.pipeline_mode<synchronous>, transform_indices = @transform_7, window_bounds = array<i64: 1, 128>}, {pipeline_mode = #tpu.pipeline_mode<synchronous>, transform_indices = @transform_8, window_bounds = array<i64: 1, 128>}, {pipeline_mode = #tpu.pipeline_mode<synchronous>, transform_indices = @transform_9, window_bounds = array<i64: 1, 1>}, {pipeline_mode = #tpu.pipeline_mode<synchronous>, transform_indices = @transform_10, window_bounds = array<i64: 64, 64>}, {pipeline_mode = #tpu.pipeline_mode<synchronous>, transform_indices = @transform_11, window_bounds = array<i64: 1, 64>}, {pipeline_mode = #tpu.pipeline_mode<synchronous>, transform_indices = @transform_12, window_bounds = array<i64: 64, 64>}, {pipeline_mode = #tpu.pipeline_mode<synchronous>, transform_indices = @transform_13, window_bounds = array<i64: 1, 64>}, {pipeline_mode = #tpu.pipeline_mode<synchronous>, transform_indices = @transform_14, window_bounds = array<i64: 1, 64>}, {pipeline_mode = #tpu.pipeline_mode<synchronous>, transform_indices = @transform_15, window_bounds = array<i64: 1, 1>}, {transform_indices = @transform_16, window_bounds = array<i64: 2048, 1>}, {transform_indices = @transform_17, window_bounds = array<i64: 2048, 1>}]} {
    %get3A = arith.constant 0 : index
    %get3A_0 = arith.constant 0 : index
    %get3A_1 = vector.load %arg1[%get3A, %get3A_0] : memref<2048x128xf32, #tpu.memory_space<vmem>>, vector<2048x128xf32>
    %get3A_2 = arith.constant 0 : index
    %get3A_3 = arith.constant 0 : index
    %get3A_4 = vector.load %arg2[%get3A_2, %get3A_3] : memref<2048x128xf32, #tpu.memory_space<vmem>>, vector<2048x128xf32>
    %get3A_5 = arith.constant 0 : index
    %get3A_6 = arith.constant 0 : index
    %get3A_7 = vector.load %arg3[%get3A_5, %get3A_6] : memref<2048x1xi32, #tpu.memory_space<vmem>>, vector<2048x1xi32>
    %get3A_8 = arith.constant 0 : index
    %get3A_9 = arith.constant 0 : index
    %get3A_10 = vector.load %arg4[%get3A_8, %get3A_9] : memref<2048x1xi32, #tpu.memory_space<vmem>>, vector<2048x1xi32>
    %broadcast_in_dim3A = arith.constant 0.000000e+00 : f32
    %broadcast_in_dim3A_11 = vector.broadcast %broadcast_in_dim3A : f32 to vector<2048x32xf32>
    %broadcast_in_dim3A_12 = arith.constant 0.000000e+00 : f32
    %broadcast_in_dim3A_13 = vector.broadcast %broadcast_in_dim3A_12 : f32 to vector<2048x32xf32>
    %eq3A = arith.constant 0 : i32
    %eq3A_14 = vector.broadcast %eq3A : i32 to vector<2048x1xi32>
    %eq3A_15 = arith.cmpi eq, %get3A_7, %eq3A_14 : vector<2048x1xi32>
    %slice3A = vector.extract_strided_slice %get3A_1 {offsets = [0, 0], sizes = [2048, 32], strides = [1, 1]} : vector<2048x128xf32> to vector<2048x32xf32>
    %broadcast_in_dim3A_16 = vector.shape_cast %eq3A_15 : vector<2048x1xi1> to vector<2048x1xi1>
    %broadcast_in_dim3A_17 = vector.broadcast %broadcast_in_dim3A_16 : vector<2048x1xi1> to vector<2048x32xi1>
    %select_n3A = arith.select %broadcast_in_dim3A_17, %slice3A, %broadcast_in_dim3A_11 : vector<2048x32xi1>, vector<2048x32xf32>
    %eq3A_18 = arith.constant 0 : i32
    %eq3A_19 = vector.broadcast %eq3A_18 : i32 to vector<2048x1xi32>
    %eq3A_20 = arith.cmpi eq, %get3A_10, %eq3A_19 : vector<2048x1xi32>
    %slice3A_21 = vector.extract_strided_slice %get3A_4 {offsets = [0, 0], sizes = [2048, 32], strides = [1, 1]} : vector<2048x128xf32> to vector<2048x32xf32>
    %broadcast_in_dim3A_22 = vector.shape_cast %eq3A_20 : vector<2048x1xi1> to vector<2048x1xi1>
    %broadcast_in_dim3A_23 = vector.broadcast %broadcast_in_dim3A_22 : vector<2048x1xi1> to vector<2048x32xi1>
    %select_n3A_24 = arith.select %broadcast_in_dim3A_23, %slice3A_21, %broadcast_in_dim3A_13 : vector<2048x32xi1>, vector<2048x32xf32>
    %eq3A_25 = arith.constant 1 : i32
    %eq3A_26 = vector.broadcast %eq3A_25 : i32 to vector<2048x1xi32>
    %eq3A_27 = arith.cmpi eq, %get3A_7, %eq3A_26 : vector<2048x1xi32>
    %slice3A_28 = vector.extract_strided_slice %get3A_1 {offsets = [0, 32], sizes = [2048, 32], strides = [1, 1]} : vector<2048x128xf32> to vector<2048x32xf32>
    %broadcast_in_dim3A_29 = vector.shape_cast %eq3A_27 : vector<2048x1xi1> to vector<2048x1xi1>
    %broadcast_in_dim3A_30 = vector.broadcast %broadcast_in_dim3A_29 : vector<2048x1xi1> to vector<2048x32xi1>
    %select_n3A_31 = arith.select %broadcast_in_dim3A_30, %slice3A_28, %select_n3A : vector<2048x32xi1>, vector<2048x32xf32>
    %eq3A_32 = arith.constant 1 : i32
    %eq3A_33 = vector.broadcast %eq3A_32 : i32 to vector<2048x1xi32>
    %eq3A_34 = arith.cmpi eq, %get3A_10, %eq3A_33 : vector<2048x1xi32>
    %slice3A_35 = vector.extract_strided_slice %get3A_4 {offsets = [0, 32], sizes = [2048, 32], strides = [1, 1]} : vector<2048x128xf32> to vector<2048x32xf32>
    %broadcast_in_dim3A_36 = vector.shape_cast %eq3A_34 : vector<2048x1xi1> to vector<2048x1xi1>
    %broadcast_in_dim3A_37 = vector.broadcast %broadcast_in_dim3A_36 : vector<2048x1xi1> to vector<2048x32xi1>
    %select_n3A_38 = arith.select %broadcast_in_dim3A_37, %slice3A_35, %select_n3A_24 : vector<2048x32xi1>, vector<2048x32xf32>
    %eq3A_39 = arith.constant 2 : i32
    %eq3A_40 = vector.broadcast %eq3A_39 : i32 to vector<2048x1xi32>
    %eq3A_41 = arith.cmpi eq, %get3A_7, %eq3A_40 : vector<2048x1xi32>
    %slice3A_42 = vector.extract_strided_slice %get3A_1 {offsets = [0, 64], sizes = [2048, 32], strides = [1, 1]} : vector<2048x128xf32> to vector<2048x32xf32>
    %broadcast_in_dim3A_43 = vector.shape_cast %eq3A_41 : vector<2048x1xi1> to vector<2048x1xi1>
    %broadcast_in_dim3A_44 = vector.broadcast %broadcast_in_dim3A_43 : vector<2048x1xi1> to vector<2048x32xi1>
    %select_n3A_45 = arith.select %broadcast_in_dim3A_44, %slice3A_42, %select_n3A_31 : vector<2048x32xi1>, vector<2048x32xf32>
    %eq3A_46 = arith.constant 2 : i32
    %eq3A_47 = vector.broadcast %eq3A_46 : i32 to vector<2048x1xi32>
    %eq3A_48 = arith.cmpi eq, %get3A_10, %eq3A_47 : vector<2048x1xi32>
    %slice3A_49 = vector.extract_strided_slice %get3A_4 {offsets = [0, 64], sizes = [2048, 32], strides = [1, 1]} : vector<2048x128xf32> to vector<2048x32xf32>
    %broadcast_in_dim3A_50 = vector.shape_cast %eq3A_48 : vector<2048x1xi1> to vector<2048x1xi1>
    %broadcast_in_dim3A_51 = vector.broadcast %broadcast_in_dim3A_50 : vector<2048x1xi1> to vector<2048x32xi1>
    %select_n3A_52 = arith.select %broadcast_in_dim3A_51, %slice3A_49, %select_n3A_38 : vector<2048x32xi1>, vector<2048x32xf32>
    %eq3A_53 = arith.constant 3 : i32
    %eq3A_54 = vector.broadcast %eq3A_53 : i32 to vector<2048x1xi32>
    %eq3A_55 = arith.cmpi eq, %get3A_7, %eq3A_54 : vector<2048x1xi32>
    %slice3A_56 = vector.extract_strided_slice %get3A_1 {offsets = [0, 96], sizes = [2048, 32], strides = [1, 1]} : vector<2048x128xf32> to vector<2048x32xf32>
    %broadcast_in_dim3A_57 = vector.shape_cast %eq3A_55 : vector<2048x1xi1> to vector<2048x1xi1>
    %broadcast_in_dim3A_58 = vector.broadcast %broadcast_in_dim3A_57 : vector<2048x1xi1> to vector<2048x32xi1>
    %select_n3A_59 = arith.select %broadcast_in_dim3A_58, %slice3A_56, %select_n3A_45 : vector<2048x32xi1>, vector<2048x32xf32>
    %eq3A_60 = arith.constant 3 : i32
    %eq3A_61 = vector.broadcast %eq3A_60 : i32 to vector<2048x1xi32>
    %eq3A_62 = arith.cmpi eq, %get3A_10, %eq3A_61 : vector<2048x1xi32>
    %slice3A_63 = vector.extract_strided_slice %get3A_4 {offsets = [0, 96], sizes = [2048, 32], strides = [1, 1]} : vector<2048x128xf32> to vector<2048x32xf32>
    %broadcast_in_dim3A_64 = vector.shape_cast %eq3A_62 : vector<2048x1xi1> to vector<2048x1xi1>
    %broadcast_in_dim3A_65 = vector.broadcast %broadcast_in_dim3A_64 : vector<2048x1xi1> to vector<2048x32xi1>
    %select_n3A_66 = arith.select %broadcast_in_dim3A_65, %slice3A_63, %select_n3A_52 : vector<2048x32xi1>, vector<2048x32xf32>
    %concatenate3A = tpu.concatenate %select_n3A_59, %select_n3A_66 in 1 : vector<2048x32xf32>, vector<2048x32xf32> -> vector<2048x64xf32>
    %get3A_67 = arith.constant 0 : index
    %get3A_68 = arith.constant 0 : index
    %get3A_69 = vector.load %arg5[%get3A_67, %get3A_68] : memref<64x128xf32, #tpu.memory_space<vmem>>, vector<64x128xf32>
    %dot_general3A = arith.constant dense<0.000000e+00> : vector<2048x128xf32>
    %dot_general3A_70 = tpu.matmul %concatenate3A, %get3A_69, %dot_general3A {dimension_numbers = #tpu.dot_dimension_numbers<[1], [0], [0], [1], [0, 0, 1, 1], [], []>, precision = #tpu.contract_precision<fp32>, transpose_lhs_hint = false} : vector<2048x64xf32>, vector<64x128xf32>, vector<2048x128xf32> -> vector<2048x128xf32>
    %get3A_71 = arith.constant 0 : index
    %get3A_72 = arith.constant 0 : index
    %get3A_73 = vector.load %arg6[%get3A_71, %get3A_72] : memref<1x128xf32, #tpu.memory_space<vmem>>, vector<1x128xf32>
    %add3A = vector.broadcast %get3A_73 : vector<1x128xf32> to vector<2048x128xf32>
    %add3A_74 = arith.addf %dot_general3A_70, %add3A : vector<2048x128xf32>
    %max3A = arith.constant 0.000000e+00 : f32
    %max3A_75 = vector.broadcast %max3A : f32 to vector<2048x128xf32>
    %max3A_76 = arith.maximumf %add3A_74, %max3A_75 : vector<2048x128xf32>
    %get3A_77 = arith.constant 0 : index
    %get3A_78 = arith.constant 0 : index
    %get3A_79 = vector.load %arg7[%get3A_77, %get3A_78] : memref<128x128xf32, #tpu.memory_space<vmem>>, vector<128x128xf32>
    %dot_general3A_80 = arith.constant dense<0.000000e+00> : vector<2048x128xf32>
    %dot_general3A_81 = tpu.matmul %max3A_76, %get3A_79, %dot_general3A_80 {dimension_numbers = #tpu.dot_dimension_numbers<[1], [0], [0], [1], [0, 0, 1, 1], [], []>, precision = #tpu.contract_precision<fp32>, transpose_lhs_hint = false} : vector<2048x128xf32>, vector<128x128xf32>, vector<2048x128xf32> -> vector<2048x128xf32>
    %get3A_82 = arith.constant 0 : index
    %get3A_83 = arith.constant 0 : index
    %get3A_84 = vector.load %arg8[%get3A_82, %get3A_83] : memref<1x128xf32, #tpu.memory_space<vmem>>, vector<1x128xf32>
    %add3A_85 = vector.broadcast %get3A_84 : vector<1x128xf32> to vector<2048x128xf32>
    %add3A_86 = arith.addf %dot_general3A_81, %add3A_85 : vector<2048x128xf32>
    %max3A_87 = arith.constant 0.000000e+00 : f32
    %max3A_88 = vector.broadcast %max3A_87 : f32 to vector<2048x128xf32>
    %max3A_89 = arith.maximumf %add3A_86, %max3A_88 : vector<2048x128xf32>
    %get3A_90 = arith.constant 0 : index
    %get3A_91 = arith.constant 0 : index
    %get3A_92 = vector.load %arg9[%get3A_90, %get3A_91] : memref<1x128xf32, #tpu.memory_space<vmem>>, vector<1x128xf32>
    %mul3A = vector.broadcast %get3A_92 : vector<1x128xf32> to vector<2048x128xf32>
    %mul3A_93 = arith.mulf %max3A_89, %mul3A : vector<2048x128xf32>
    %reduce_sum3A = arith.constant dense<0.000000e+00> : vector<2048xf32>
    %reduce_sum3A_94 = vector.multi_reduction <add>, %mul3A_93, %reduce_sum3A [1] : vector<2048x128xf32> to vector<2048xf32>
    %broadcast_in_dim3A_95 = vector.shape_cast %reduce_sum3A_94 : vector<2048xf32> to vector<2048x1xf32>
    %get3A_96 = arith.constant 0 : index
    %get3A_97 = arith.constant 0 : index
    %get3A_98 = vector.load %arg10[%get3A_96, %get3A_97] : memref<1x1xf32, #tpu.memory_space<vmem>>, vector<1x1xf32>
    %add3A_99 = vector.broadcast %get3A_98 : vector<1x1xf32> to vector<2048x1xf32>
    %add3A_100 = arith.addf %broadcast_in_dim3A_95, %add3A_99 : vector<2048x1xf32>
    %logistic3A = arith.negf %add3A_100 : vector<2048x1xf32>
    %logistic3A_101 = math.exp %logistic3A : vector<2048x1xf32>
    %logistic3A_102 = arith.constant 1.000000e+00 : f32
    %logistic3A_103 = vector.broadcast %logistic3A_102 : f32 to vector<2048x1xf32>
    %logistic3A_104 = arith.addf %logistic3A_103, %logistic3A_101 : vector<2048x1xf32>
    %logistic3A_105 = arith.divf %logistic3A_103, %logistic3A_104 : vector<2048x1xf32>
    %get3A_106 = arith.constant 0 : index
    %get3A_107 = arith.constant 0 : index
    %get3A_108 = vector.load %arg11[%get3A_106, %get3A_107] : memref<64x64xf32, #tpu.memory_space<vmem>>, vector<64x64xf32>
    %dot_general3A_109 = arith.constant dense<0.000000e+00> : vector<2048x64xf32>
    %dot_general3A_110 = tpu.matmul %concatenate3A, %get3A_108, %dot_general3A_109 {dimension_numbers = #tpu.dot_dimension_numbers<[1], [0], [0], [1], [0, 0, 1, 1], [], []>, precision = #tpu.contract_precision<fp32>, transpose_lhs_hint = false} : vector<2048x64xf32>, vector<64x64xf32>, vector<2048x64xf32> -> vector<2048x64xf32>
    %get3A_111 = arith.constant 0 : index
    %get3A_112 = arith.constant 0 : index
    %get3A_113 = vector.load %arg12[%get3A_111, %get3A_112] : memref<1x64xf32, #tpu.memory_space<vmem>>, vector<1x64xf32>
    %add3A_114 = vector.broadcast %get3A_113 : vector<1x64xf32> to vector<2048x64xf32>
    %add3A_115 = arith.addf %dot_general3A_110, %add3A_114 : vector<2048x64xf32>
    %max3A_116 = arith.constant 0.000000e+00 : f32
    %max3A_117 = vector.broadcast %max3A_116 : f32 to vector<2048x64xf32>
    %max3A_118 = arith.maximumf %add3A_115, %max3A_117 : vector<2048x64xf32>
    %get3A_119 = arith.constant 0 : index
    %get3A_120 = arith.constant 0 : index
    %get3A_121 = vector.load %arg13[%get3A_119, %get3A_120] : memref<64x64xf32, #tpu.memory_space<vmem>>, vector<64x64xf32>
    %dot_general3A_122 = arith.constant dense<0.000000e+00> : vector<2048x64xf32>
    %dot_general3A_123 = tpu.matmul %max3A_118, %get3A_121, %dot_general3A_122 {dimension_numbers = #tpu.dot_dimension_numbers<[1], [0], [0], [1], [0, 0, 1, 1], [], []>, precision = #tpu.contract_precision<fp32>, transpose_lhs_hint = false} : vector<2048x64xf32>, vector<64x64xf32>, vector<2048x64xf32> -> vector<2048x64xf32>
    %get3A_124 = arith.constant 0 : index
    %get3A_125 = arith.constant 0 : index
    %get3A_126 = vector.load %arg14[%get3A_124, %get3A_125] : memref<1x64xf32, #tpu.memory_space<vmem>>, vector<1x64xf32>
    %add3A_127 = vector.broadcast %get3A_126 : vector<1x64xf32> to vector<2048x64xf32>
    %add3A_128 = arith.addf %dot_general3A_123, %add3A_127 : vector<2048x64xf32>
    %max3A_129 = arith.constant 0.000000e+00 : f32
    %max3A_130 = vector.broadcast %max3A_129 : f32 to vector<2048x64xf32>
    %max3A_131 = arith.maximumf %add3A_128, %max3A_130 : vector<2048x64xf32>
    %get3A_132 = arith.constant 0 : index
    %get3A_133 = arith.constant 0 : index
    %get3A_134 = vector.load %arg15[%get3A_132, %get3A_133] : memref<1x64xf32, #tpu.memory_space<vmem>>, vector<1x64xf32>
    %mul3A_135 = vector.broadcast %get3A_134 : vector<1x64xf32> to vector<2048x64xf32>
    %mul3A_136 = arith.mulf %max3A_131, %mul3A_135 : vector<2048x64xf32>
    %reduce_sum3A_137 = arith.constant dense<0.000000e+00> : vector<2048xf32>
    %reduce_sum3A_138 = vector.multi_reduction <add>, %mul3A_136, %reduce_sum3A_137 [1] : vector<2048x64xf32> to vector<2048xf32>
    %broadcast_in_dim3A_139 = vector.shape_cast %reduce_sum3A_138 : vector<2048xf32> to vector<2048x1xf32>
    %get3A_140 = arith.constant 0 : index
    %get3A_141 = arith.constant 0 : index
    %get3A_142 = vector.load %arg16[%get3A_140, %get3A_141] : memref<1x1xf32, #tpu.memory_space<vmem>>, vector<1x1xf32>
    %add3A_143 = vector.broadcast %get3A_142 : vector<1x1xf32> to vector<2048x1xf32>
    %add3A_144 = arith.addf %broadcast_in_dim3A_139, %add3A_143 : vector<2048x1xf32>
    %logistic3A_145 = arith.negf %add3A_144 : vector<2048x1xf32>
    %logistic3A_146 = math.exp %logistic3A_145 : vector<2048x1xf32>
    %logistic3A_147 = arith.constant 1.000000e+00 : f32
    %logistic3A_148 = vector.broadcast %logistic3A_147 : f32 to vector<2048x1xf32>
    %logistic3A_149 = arith.addf %logistic3A_148, %logistic3A_146 : vector<2048x1xf32>
    %logistic3A_150 = arith.divf %logistic3A_148, %logistic3A_149 : vector<2048x1xf32>
    %swap3A = arith.constant 0 : index
    %swap3A_151 = arith.constant 0 : index
    %swap3A_152 = vector.load %arg17[%swap3A, %swap3A_151] : memref<2048x1xf32, #tpu.memory_space<vmem>>, vector<2048x1xf32>
    tpu.vector_store %arg17[%swap3A, %swap3A_151], %logistic3A_150 {strides = array<i32>} : memref<2048x1xf32, #tpu.memory_space<vmem>>, vector<2048x1xf32>,
    %mul3A_153 = arith.mulf %logistic3A_150, %logistic3A_105 : vector<2048x1xf32>
    %swap3A_154 = arith.constant 0 : index
    %swap3A_155 = arith.constant 0 : index
    %swap3A_156 = vector.load %arg18[%swap3A_154, %swap3A_155] : memref<2048x1xf32, #tpu.memory_space<vmem>>, vector<2048x1xf32>
    tpu.vector_store %arg18[%swap3A_154, %swap3A_155], %mul3A_153 {strides = array<i32>} : memref<2048x1xf32, #tpu.memory_space<vmem>>, vector<2048x1xf32>,
    return
  }
  func.func @transform_0(%arg0: i32) -> (i32, i32) {
    %c0_i32 = arith.constant 0 : i32
    %c0_i32_0 = arith.constant 0 : i32
    return %arg0, %c0_i32 : i32, i32
  }
  func.func @transform_1(%arg0: i32) -> (i32, i32) {
    %c0_i32 = arith.constant 0 : i32
    %c0_i32_0 = arith.constant 0 : i32
    return %arg0, %c0_i32 : i32, i32
  }
  func.func @transform_2(%arg0: i32) -> (i32, i32) {
    %c0_i32 = arith.constant 0 : i32
    %c0_i32_0 = arith.constant 0 : i32
    return %arg0, %c0_i32 : i32, i32
  }
  func.func @transform_3(%arg0: i32) -> (i32, i32) {
    %c0_i32 = arith.constant 0 : i32
    %c0_i32_0 = arith.constant 0 : i32
    return %arg0, %c0_i32 : i32, i32
  }
  func.func @transform_4(%arg0: i32) -> (i32, i32) {
    %c0_i32 = arith.constant 0 : i32
    %c0_i32_0 = arith.constant 0 : i32
    %c0_i32_1 = arith.constant 0 : i32
    return %c0_i32, %c0_i32_0 : i32, i32
  }
  func.func @transform_5(%arg0: i32) -> (i32, i32) {
    %c0_i32 = arith.constant 0 : i32
    %c0_i32_0 = arith.constant 0 : i32
    %c0_i32_1 = arith.constant 0 : i32
    return %c0_i32, %c0_i32_0 : i32, i32
  }
  func.func @transform_6(%arg0: i32) -> (i32, i32) {
    %c0_i32 = arith.constant 0 : i32
    %c0_i32_0 = arith.constant 0 : i32
    %c0_i32_1 = arith.constant 0 : i32
    return %c0_i32, %c0_i32_0 : i32, i32
  }
  func.func @transform_7(%arg0: i32) -> (i32, i32) {
    %c0_i32 = arith.constant 0 : i32
    %c0_i32_0 = arith.constant 0 : i32
    %c0_i32_1 = arith.constant 0 : i32
    return %c0_i32, %c0_i32_0 : i32, i32
  }
  func.func @transform_8(%arg0: i32) -> (i32, i32) {
    %c0_i32 = arith.constant 0 : i32
    %c0_i32_0 = arith.constant 0 : i32
    %c0_i32_1 = arith.constant 0 : i32
    return %c0_i32, %c0_i32_0 : i32, i32
  }
  func.func @transform_9(%arg0: i32) -> (i32, i32) {
    %c0_i32 = arith.constant 0 : i32
    %c0_i32_0 = arith.constant 0 : i32
    %c0_i32_1 = arith.constant 0 : i32
    return %c0_i32, %c0_i32_0 : i32, i32
  }
  func.func @transform_10(%arg0: i32) -> (i32, i32) {
    %c0_i32 = arith.constant 0 : i32
    %c0_i32_0 = arith.constant 0 : i32
    %c0_i32_1 = arith.constant 0 : i32
    return %c0_i32, %c0_i32_0 : i32, i32
  }
  func.func @transform_11(%arg0: i32) -> (i32, i32) {
    %c0_i32 = arith.constant 0 : i32
    %c0_i32_0 = arith.constant 0 : i32
    %c0_i32_1 = arith.constant 0 : i32
    return %c0_i32, %c0_i32_0 : i32, i32
  }
  func.func @transform_12(%arg0: i32) -> (i32, i32) {
    %c0_i32 = arith.constant 0 : i32
    %c0_i32_0 = arith.constant 0 : i32
    %c0_i32_1 = arith.constant 0 : i32
    return %c0_i32, %c0_i32_0 : i32, i32
  }
  func.func @transform_13(%arg0: i32) -> (i32, i32) {
    %c0_i32 = arith.constant 0 : i32
    %c0_i32_0 = arith.constant 0 : i32
    %c0_i32_1 = arith.constant 0 : i32
    return %c0_i32, %c0_i32_0 : i32, i32
  }
  func.func @transform_14(%arg0: i32) -> (i32, i32) {
    %c0_i32 = arith.constant 0 : i32
    %c0_i32_0 = arith.constant 0 : i32
    %c0_i32_1 = arith.constant 0 : i32
    return %c0_i32, %c0_i32_0 : i32, i32
  }
  func.func @transform_15(%arg0: i32) -> (i32, i32) {
    %c0_i32 = arith.constant 0 : i32
    %c0_i32_0 = arith.constant 0 : i32
    %c0_i32_1 = arith.constant 0 : i32
    return %c0_i32, %c0_i32_0 : i32, i32
  }
  func.func @transform_16(%arg0: i32) -> (i32, i32) {
    %c0_i32 = arith.constant 0 : i32
    %c0_i32_0 = arith.constant 0 : i32
    return %arg0, %c0_i32 : i32, i32
  }
  func.func @transform_17(%arg0: i32) -> (i32, i32) {
    %c0_i32 = arith.constant 0 : i32
    %c0_i32_0 = arith.constant 0 : i32
    return %arg0, %c0_i32 : i32, i32
  }
}

</mosaic_0001>

<sc_bundles>
// kernel: kernel.6.cloned.1.call-start
scs
__scs_entry_jumppad:
0x0: {  	(pc) =	sbr.rel $0x88, $3  }
0x1: {  	(tag) =	ssettag $0x0;
	lr =	simm.s32 $0x1  }
0x2: {  	[smem:$0x3F91] =	sst lr;
	_ =	strace $0xD0000000  }
0x3: {  	_ = 	snop  }
0x4: {  	_ = 	snop  }
0x5: {  	_ = 	snop  }
0x6: {  	_ = 	snop  }
0x7: {  	_ = 	snop  }
__scs_overlays_trampoline_lowered:
0x8: {  	[smem:$0x3FA0] =	sst s0  }
0x9: {  	[smem:$0x3FA1] =	sst s1  }
0xa: {  	[smem:$0x3FA2] =	sst s2  }
0xb: {  	[smem:$0x3FA3] =	sst s3  }
0xc: {  	[smem:$0x3FA4] =	sst s4  }
0xd: {  	[smem:$0x3FA5] =	sst s5  }
0xe: {  	[smem:$0x3FA6] =	sst s6  }
0xf: {  	[smem:$0x3FA7] =	sst s7  }
0x10: {  	[smem:$0x3FA8] =	sst s8  }
0x11: {  	[smem:$0x3FA9] =	sst s9;
	s0 =	simm.s32 @!p0 $0x0  }
0x12: {  	s1 =	sld [smem:$0x3F8F];
	s0 =	simm.s32 @p0 $0x1  }
0x13: {  	[smem:$0x3FAA] =	sst s0;
	s0 =	simm.s32 @!p1 $0x0  }
0x14: {  	s2 =	sld [smem:$0x3F8E];
	s0 =	simm.s32 @p1 $0x1  }
0x15: {  	[smem:$0x3FAB] =	sst s0;
	s0 =	simm.s32 @!p2 $0x0  }
0x16: {  	s3 =	sld [smem:$0x3FDB];
	s0 =	simm.s32 @p2 $0x1  }
0x17: {  	s4 =	simm.s32 $0x1BF5;
	[smem:$0x3FAD] =	sst s0  }
0x18: {  	s0 =	sld [smem:$0x3F90];
	_ =	swait.ge [sflag:s4], $0x0  }
0x19: {  	s7 =	sld [smem:$0x3F91]  }
0x1a: {  	s8 =	sadd.s32 $0xFFFFE003, lr  }
0x1b: {  	s9 =	sadd.s32 $0xFFFFFEF7, lr;
	s5 =	simm.s32 $0xFFFFFFFF;
	p2 =	slt.u32 s8, $0xFFFFF086  }
0x1c: {  	p1 =	slt.u32 s9, $0xF7A;
	s5 =	simm.s32 @!p2 $0x0  }
0x1d: {  	s5 =	simm.s32 @p1 $0x1;
	p0 =	seq.s32 s7, s2  }
0x1e: {  	s7 =	smul.u32 @!p0 $0xF7A, s2;
	p2 =	seq.s32 @!p0 s5, $0x0  }
0x1f: {  	s9 =	smul.u32 $0xF7A, s1;
	s8 =	simm.s32 @!p0 $0x1BF5;
	p2 =	por !p2, p0  }
0x20: {  	[sflag:s8] =	ssyncset.s32 @!p0 $0xFFFFF086;
	s6 =	sadd.s32 @!p0 s3, s7;
	s7 =	simm.s32 @!p0 $0x108  }
0x21: {  	s3 =	sadd.s32 s3, s9;
	s6 =	sadd.s32 @!p0 $0x88, s6;
	s7 =	simm.s32 @p2 $0x1082  }
0x22: {  	[simem:s7], [sflag:s8] =	dma.local @!p0 [hbm:s6], $0xF7A  }
0x23: {  	s9 =	sor.u32 $0xD0000000, s2;
	s6 =	simm.s32 $0x108;
	_ =	swait.ge @!p0 [sflag:s8], $0x0  }
0x24: {  	s3 =	sadd.s32 $0x88, s3;
	s6 =	simm.s32 @!p1 $0x1082;
	[sflag:s4] =	ssyncset.s32 $0xFFFFF086  }
0x25: {  	[simem:s6], [sflag:s4] =	dma.local [hbm:s3], $0xF7A  }
0x26: {  	[smem:$0x3F91] =	sst s1;
	(tag) =	ssettag s2;
	_ =	strace s9  }
0x27: {  	s1 =	sld [smem:$0x3FA1]  }
0x28: {  	s2 =	sld [smem:$0x3FA2]  }
0x29: {  	s4 =	sld [smem:$0x3FA4]  }
0x2a: {  	p0 =	seq.s32 s5, $0x0;
	s5 =	sld [smem:$0x3FA5]  }
0x2b: {  	s6 =	sld [smem:$0x3FA6]  }
0x2c: {  	s7 =	sld [smem:$0x3FA7]  }
0x2d: {  	s3 =	simm.s32 $0x108;
	s8 =	sld [smem:$0x3FA8]  }
0x2e: {  	s3 =	simm.s32 @!p0 $0x1082;
	s9 =	sld [smem:$0x3FA9]  }
0x2f: {  	lr =	sadd.s32 s0, s3;
	s0 =	sld [smem:$0x3FA0]  }
0x30: {  	s3 =	sld [smem:$0x3FA3]  }
0x31: {  	[smem:$0x3FAC] =	sst s10  }
0x32: {  	s10 =	sld [smem:$0x3FAA];
	_ =	sdelay $0x3  }
0x33: {  	p0 =	seq.s32 s10, $0x1;
	s10 =	sld [smem:$0x3FAC];
	_ =	sdelay $0x3  }
0x34: {  	[smem:$0x3FAC] =	sst s10  }
0x35: {  	s10 =	sld [smem:$0x3FAB];
	_ =	sdelay $0x3  }
0x36: {  	p1 =	seq.s32 s10, $0x1;
	s10 =	sld [smem:$0x3FAC];
	_ =	sdelay $0x3  }
0x37: {  	[smem:$0x3FAC] =	sst s10  }
0x38: {  	s10 =	sld [smem:$0x3FAD]  }
0x39: {  	_ = 	snop;
	(pc) =	sbr.ind lr, $3  }
0x3a: {  	_ = 	snop  }
0x3b: {  	_ = 	snop  }
0x3c: {  	p2 =	seq.s32 s10, $0x1;
	s10 =	sld [smem:$0x3FAC]  }
0x3d: {  	_ =	shalt  }
0x3e: {  	_ =	shalt  }
0x3f: {  	_ =	shalt  }
0x40: {  	_ =	shalt  }
0x41: {  	_ =	shalt  }
0x42: {  	_ =	shalt  }
0x43: {  	_ =	shalt  }
0x44: {  	_ =	shalt  }
0x45: {  	_ =	shalt  }
0x46: {  	_ =	shalt  }
0x47: {  	_ =	shalt  }
0x48: {  	_ =	shalt  }
0x49: {  	_ =	shalt  }
0x4a: {  	_ =	shalt  }
0x4b: {  	_ =	shalt  }
0x4c: {  	_ =	shalt  }
0x4d: {  	_ =	shalt  }
0x4e: {  	_ =	shalt  }
0x4f: {  	_ =	shalt  }
0x50: {  	_ =	shalt  }
0x51: {  	_ =	shalt  }
0x52: {  	_ =	shalt  }
0x53: {  	_ =	shalt  }
0x54: {  	_ =	shalt  }
0x55: {  	_ =	shalt  }
0x56: {  	_ =	shalt  }
0x57: {  	_ =	shalt  }
0x58: {  	_ =	shalt  }
0x59: {  	_ =	shalt  }
0x5a: {  	_ =	shalt  }
0x5b: {  	_ =	shalt  }
0x5c: {  	_ =	shalt  }
0x5d: {  	_ =	shalt  }
0x5e: {  	_ =	shalt  }
0x5f: {  	_ =	shalt  }
0x60: {  	_ =	shalt  }
0x61: {  	_ =	shalt  }
0x62: {  	_ =	shalt  }
0x63: {  	_ =	shalt  }
0x64: {  	_ =	shalt  }
0x65: {  	_ =	shalt  }
0x66: {  	_ =	shalt  }
0x67: {  	_ =	shalt  }
0x68: {  	_ =	shalt  }
0x69: {  	_ =	shalt  }
0x6a: {  	_ =	shalt  }
0x6b: {  	_ =	shalt  }
0x6c: {  	_ =	shalt  }
0x6d: {  	_ =	shalt  }
0x6e: {  	_ =	shalt  }
0x6f: {  	_ =	shalt  }
0x70: {  	_ =	shalt  }
0x71: {  	_ =	shalt  }
0x72: {  	_ =	shalt  }
0x73: {  	_ =	shalt  }
0x74: {  	_ =	shalt  }
0x75: {  	_ =	shalt  }
0x76: {  	_ =	shalt  }
0x77: {  	_ =	shalt  }
0x78: {  	_ =	shalt  }
0x79: {  	_ =	shalt  }
0x7a: {  	_ =	shalt  }
0x7b: {  	_ =	shalt  }
0x7c: {  	_ =	shalt  }
0x7d: {  	_ =	shalt  }
0x7e: {  	_ =	shalt  }
0x7f: {  	_ =	shalt  }
0x80: {  	_ =	shalt  }
0x81: {  	_ =	shalt  }
0x82: {  	_ =	shalt  }
0x83: {  	_ =	shalt  }
0x84: {  	_ =	shalt  }
0x85: {  	_ =	shalt  }
0x86: {  	_ =	shalt  }
0x87: {  	_ =	shalt  }
.Lfunc_end0:
.L_simem_size_0:
called_computation_lowered:
.L_overlay_start_0:
0x88: {  	s2 =	sld [smem:$0x3FD9]  }
0x89: {  	s3 =	sld [smem:$0x3FFE];
	_ =	sdelay $0x1  }
0x8a: {  	s1 =	srdreg.scid  }
0x8b: {  	s0 =	sand.u32 $0x1, s1  }
0x8c: {  	s14 =	sshll.u32 s0, $0xA;
	s2 =	sadd.s32 s3, s2  }
0x8d: {  	s2 =	sadd.s32 s2, s14  }
0x8e: {  	[smem:$0x3FB8] =	sst s2  }
0x8f: {  	_ = 	snop  }
0x90: {  	s2 =	sld [smem:$0x3FD0];
	_ =	sdelay $0x2  }
0x91: {  	s15 =	simm.s32 $0xA;
	s4 =	simm.s32 $0x10  }
0x92: {  	[smem:s4], [sflag:s15] =	dma.local [hbm:s2], $0x1  }
0x93: {  	_ =	swait.eq [sflag:s15], $0x1  }
0x94: {  	[sflag:s15] =	ssyncset.done $0x0  }
0x95: {  	s16 =	sld [smem:$0x10];
	[sflag:s15] =	ssyncadd.s32 $0xFFFFFFFF  }
0x96: {  	s17 =	sld [smem:$0x11];
	(tm) =	ssettm $0x1  }
0x97: {  	s18 =	sld [smem:$0x3FFB];
	_ =	sdelay $0x3  }
0x98: {  	_ =	strace s18  }
0x99: {  	s4 =	sld [smem:$0x3FFC];
	_ =	sdelay $0x3  }
0x9a: {  	_ =	strace s4  }
0x9b: {  	s4 =	sld [smem:$0x3FFD];
	_ =	sdelay $0x3  }
0x9c: {  	_ =	strace s4  }
0x9d: {  	_ =	strace $0x8FFFFFFF  }
0x9e: {  	s19 =	sld [smem:$0x3FDB];
	_ =	sdelay $0x1  }
0x9f: {  	s5 =	simm.s32 $_scs_section_size  }
0xa0: {  	s6 =	simm.s32 $_size__tile_overlayer_lowered;
	s7 =	simm.s32 $_tile_overlayer_lowered  }
0xa1: {  	s22 =	simm.s32 $0x1BFF;
	s21 =	sshll.u32 s7, $0x1;
	s4 =	sadd.s32 s5, s19  }
0xa2: {  	s8 =	simm.s32 $0x0;
	s20 =	sshll.u32 s6, $0x1;
	s6 =	sadd.s32 s21, s4  }
0xa3: {  	[timem:s8], [sflag:s22] =	dma.local [hbm:s6], s20  }
0xa4: {  	_ =	swait.ge [sflag:s22], s20  }
0xa5: {  	s5 =	ssub.s32 $0x0, s20;
	[sflag:s22] =	ssyncset.done $0x0  }
0xa6: {  	[sflag:s22] =	ssyncadd.s32 s5;
	_ =	sdelay $0x1  }
0xa7: {  	s23 =	simm.s32 $0x1B8B  }
0xa8: {  	_ =	swait.ge [sflag:s23], $0x1  }
0xa9: {  	[sflag:s23] =	ssyncset.done $0x0  }
0xaa: {  	s25 =	simm.s32 $0x1B8E;
	s24 =	sld [smem:$0x3FFE];
	[sflag:s23] =	ssyncadd.s32 $0xFFFFFFFF  }
0xab: {  	s26 =	simm.s32 $execute0_lowered;
	[smem:$0x3FD2] =	sst s25  }
0xac: {  	s6 =	sshll.u32 s26, $0x1;
	_ =	strace $0x80000046;
	[dreg:$0x1] =	wrdreg $0xFFFFFFFF  }
0xad: {  	s28 =	simm.s32 $_size_execute0_lowered;
	s4 =	sadd.s32 s4, s6;
	[dreg:$0x0] =	wrdreg $0x0  }
0xae: {  	s6 =	sshll.u32 s28, $0x1;
	[dreg:$0x2] =	wrdreg s4  }
0xaf: {  	[dreg:$0x3] =	wrdreg s6  }
0xb0: {  	[dreg:$0x4] =	wrdreg $0xC0  }
0xb1: {  	_ =	task [dreg:s8], $0x5FFFF  }
0xb2: {  	[dreg:$0x1] =	wrdreg $0xFFFFFFFF  }
0xb3: {  	[dreg:$0x0] =	wrdreg $0x60  }
0xb4: {  	[dreg:$0x2] =	wrdreg s24  }
0xb5: {  	[dreg:$0x3] =	wrdreg s16  }
0xb6: {  	[dreg:$0x4] =	wrdreg s17  }
0xb7: {  	[dreg:$0x5] =	wrdreg $0x9  }
0xb8: {  	_ =	task.clear_ibuf [dreg:s8], $0x6FFFF;
	_ =	strace $0x90000046  }
0xb9: {  	s29 =	simm.s32 $0x9;
	_ =	strace $0x80000048  }
0xba: {  	_ =	swait.ge [sflag:s29], $0x1  }
0xbb: {  	[sflag:s29] =	ssyncadd.s32 $0xFFFFFFFF  }
0xbc: {  	_ =	strace $0x90000048  }
0xbd: {  	_ =	sfence  }
0xbe: {  	s30 =	sld [smem:$0x0];
	_ =	sdelay $0x2  }
0xbf: {  	s31 =	sshll.u32 s1, $0xD;
	s1 =	sshrl.u32 s1, $0x2  }
0xc0: {  	s3 =	sand.u32 $0x4000, s31;
	s1 =	sadd.s32 s1, s30  }
0xc1: {  	s0 =	sor.u32 s3, s0;
	s1 =	sshll.u32 s1, $0x11  }
0xc2: {  	s0 =	sor.u32 s1, s0  }
0xc3: {  	s0 =	sadd.s32 $0x8F2B, s0  }
0xc4: {  	[sflag:s0] =	ssyncadd.remote.s32 $0x1  }
0xc5: {  	_ =	sfence.sel $0xFFFF  }
0xc6: {  	[dreg:$0x0] =	wrdreg $0xFFFFFFFF;
	(pc) =	sbr.abs _section_cstart, $3  }
0xc7: {  	[dreg:$0x1] =	wrdreg $0xFFFFFFFF  }
0xc8: {  	_ =	task.clear_ibuf [dreg:s8], $0x2FFFF;
	_ =	strace $0x9FFFFFFF  }
0xc9: {  	(tm) =	ssettm $0x7FFFFFFF  }
tec
execute0_lowered:
.L_overlay_start_1:
0x0: {  	(tag) =	ssettag $0x1  }
0x1: {  	s5 =	rddreg [dreg:$0x0]  }
0x2: {  	s9 =	rddreg [dreg:$0x1]  }
0x3: {  	s8 =	rddreg [dreg:$0x2]  }
0x4: {  	s0 =	rddreg [dreg:$0x3];
	s1 =	simm.s32 $0x0  }
0x5: {  	s2 =	srdreg.scid;
	s12 =	simm.s32 $0x100;
	s13 =	simm.s32 $0x4100  }
0x6: {  	s14 =	simm.s32 $0x1;
	s15 =	simm.s32 $0x2;
	s16 =	simm.s32 $0x0  }
0x7: {  	[smem:$0x7FF] =	sst s1;
	s6 =	sand.u32 $0x1, s2;
	s3 =	sadd.s32 $0x2600, s5  }
0x8: {  	s2 =	stileid.u32;
	s4 =	sadd.s32 $0x3D3600, s5;
	_ =	strace $0x80000047  }
0x9: {  	s7 =	ssub.s32 $0x2, s6;
	s10 =	sshll.u32 s2, $0xE;
	s30 =	sshll.u32 s6, $0x9  }
0xa: {  	s6 =	sshll.u32 s6, $0xD;
	s11 =	sshrl.u32 s7, $0x1;
	s10 =	sadd.s32 s10, s5  }
0xb: {  	s29 =	sshll.u32 s2, $0xA;
	s28 =	ssub.s32 s7, s11;
	s10 =	sadd.s32 s6, s10  }
0xc: {  	s11 =	sor.u32 s30, s29;
	s5 =	smax.u32 s28, $0x1;
	s6 =	sadd.s32 $0x435600, s10  }
0xd: {  	s7 =	sadd.s32 $0x475600, s10;
	s31 =	sshrl.u32 s11, $0x3;
	s10 =	simm.s32 $0x3  }
0xe: {  	s11 =	simm.s32 $0x80;
	s8 =	sadd.s32 s31, s8;
	s9 =	sadd.s32 s31, s9  }
.LBB2_1:
0xf: {  	s17 =	sadd.s32 $0x0, s9  }
0x10: {  	[tilespmem:s1], [sflag:$0x3] =	stream.linear.gather [hbm4b:s17+s1], $0x80, $0x38;
	[tilespmem:$0x8100] =	vst v63  }
0x11: {  	_ =	swait.ge [sflag:s10], $0x80  }
0x12: {  	[sflag:s10] =	ssyncset.done $0x0  }
0x13: {  	s31 =	sadd.s32 $0x0, s8;
	[sflag:s10] =	ssyncadd.s32 $0xFFFFFF80  }
0x14: {  	[tilespmem:s11], [sflag:$0x3] =	stream.linear.gather [hbm4b:s31+s1], $0x80, $0x38;
	[tilespmem:$0x8100] =	vst v63  }
0x15: {  	_ =	swait.ge [sflag:s10], $0x80  }
0x16: {  	[sflag:s10] =	ssyncset.done $0x0  }
0x17: {  	[sflag:s10] =	ssyncadd.s32 $0xFFFFFF80  }
0x18: {  	[tilespmem:s12], [sflag:$0x1] =	stream.indirect.gather [hbm4b:s3+s11], $0x80, s1, s11, $0xb8;
	[tilespmem:$0x8100] =	vst v63  }
0x19: {  	_ = 	snop  }
0x1a: {  	[tilespmem:s13], [sflag:$0x2] =	stream.indirect.gather [hbm4b:s4+s11], $0x80, s11, s11, $0xb8;
	[tilespmem:$0x8100] =	vst v63  }
0x1b: {  	_ =	swait.ge [sflag:s14], $0x4000  }
0x1c: {  	[sflag:s14] =	ssyncset.done $0x0  }
0x1d: {  	[sflag:s14] =	ssyncadd.s32 $0xFFFFC000  }
0x1e: {  	_ =	swait.ge [sflag:s15], $0x4000  }
0x1f: {  	[sflag:s15] =	ssyncset.done $0x0  }
0x20: {  	[sflag:s15] =	ssyncadd.s32 $0xFFFFC000  }
0x21: {  	[hbm4b:s6+s1] =	stream.linear.scatter [tilespmem:s12], [sflag:$0x3], $0x4000, $0x38;
	[tilespmem:$0x8100] =	vst v63  }
0x22: {  	_ =	swait.ge [sflag:s10], $0x4000  }
0x23: {  	[sflag:s10] =	ssyncset.done $0x0  }
0x24: {  	[sflag:s10] =	ssyncadd.s32 $0xFFFFC000  }
0x25: {  	[hbm4b:s7+s1] =	stream.linear.scatter [tilespmem:s13], [sflag:$0x3], $0x4000, $0x38;
	[tilespmem:$0x8100] =	vst v63  }
0x26: {  	s19 =	simm.s32 $0x10;
	s20 =	simm.s32 $0x20;
	_ =	swait.ge [sflag:s10], $0x4000  }
0x27: {  	s18 =	sadd.s32 $0x800, s6;
	s17 =	sadd.s32 $0x800, s7;
	[sflag:s10] =	ssyncset.done $0x0  }
.LBB2_2:
0x28: {  	s21 =	sadd.s32 s19, s9  }
0x29: {  	[sflag:s10] =	ssyncadd.s32 $0xFFFFC000;
	s22 =	smov.u32 s20;
	s23 =	sadd.s32 $0x10, s20  }
0x2a: {  	[tilespmem:s1], [sflag:$0x3] =	stream.linear.gather [hbm4b:s21+s1], $0x80, $0x38;
	[tilespmem:$0x8100] =	vst v63  }
0x2b: {  	p0 =	sne.s32 s20, $0x30;
	_ =	swait.ge [sflag:s10], $0x80  }
0x2c: {  	[sflag:s10] =	ssyncset.done $0x0  }
0x2d: {  	s20 =	sadd.s32 s19, s8;
	s19 =	smov.u32 s22;
	[sflag:s10] =	ssyncadd.s32 $0xFFFFFF80  }
0x2e: {  	[tilespmem:s11], [sflag:$0x3] =	stream.linear.gather [hbm4b:s20+s1], $0x80, $0x38;
	[tilespmem:$0x8100] =	vst v63  }
0x2f: {  	_ =	swait.ge [sflag:s10], $0x80  }
0x30: {  	[sflag:s10] =	ssyncset.done $0x0  }
0x31: {  	[sflag:s10] =	ssyncadd.s32 $0xFFFFFF80  }
0x32: {  	[tilespmem:s12], [sflag:$0x1] =	stream.indirect.gather [hbm4b:s3+s11], $0x80, s1, s11, $0xb8;
	[tilespmem:$0x8100] =	vst v63  }
0x33: {  	_ = 	snop  }
0x34: {  	[tilespmem:s13], [sflag:$0x2] =	stream.indirect.gather [hbm4b:s4+s11], $0x80, s11, s11, $0xb8;
	[tilespmem:$0x8100] =	vst v63  }
0x35: {  	_ =	swait.ge [sflag:s14], $0x4000  }
0x36: {  	[sflag:s14] =	ssyncset.done $0x0  }
0x37: {  	[sflag:s14] =	ssyncadd.s32 $0xFFFFC000  }
0x38: {  	_ =	swait.ge [sflag:s15], $0x4000  }
0x39: {  	[sflag:s15] =	ssyncset.done $0x0  }
0x3a: {  	[sflag:s15] =	ssyncadd.s32 $0xFFFFC000  }
0x3b: {  	[hbm4b:s18+s1] =	stream.linear.scatter [tilespmem:s12], [sflag:$0x3], $0x4000, $0x38;
	[tilespmem:$0x8100] =	vst v63  }
0x3c: {  	_ =	swait.ge [sflag:s10], $0x4000  }
.Ltmp0:
0x3d: {  	[sflag:s10] =	ssyncset.done $0x0;
	(pc) =	sbr.rel @p0 .LBB2_2-.Ltmp0, $4  }
0x3e: {  	[sflag:s10] =	ssyncadd.s32 $0xFFFFC000  }
0x3f: {  	[hbm4b:s17+s1] =	stream.linear.scatter [tilespmem:s13], [sflag:$0x3], $0x4000, $0x38;
	[tilespmem:$0x8100] =	vst v63  }
0x40: {  	s20 =	smov.u32 s23;
	_ =	swait.ge [sflag:s10], $0x4000  }
0x41: {  	s18 =	sadd.s32 $0x800, s18;
	s17 =	sadd.s32 $0x800, s17;
	[sflag:s10] =	ssyncset.done $0x0  }
0x42: {  	s20 =	sadd.s32 s19, s9;
	[sflag:s10] =	ssyncadd.s32 $0xFFFFC000  }
0x43: {  	[tilespmem:s1], [sflag:$0x3] =	stream.linear.gather [hbm4b:s20+s1], $0x80, $0x38;
	[tilespmem:$0x8100] =	vst v63  }
0x44: {  	_ =	swait.ge [sflag:s10], $0x80  }
0x45: {  	[sflag:s10] =	ssyncset.done $0x0  }
0x46: {  	s31 =	sadd.s32 s19, s8;
	[sflag:s10] =	ssyncadd.s32 $0xFFFFFF80  }
0x47: {  	[tilespmem:s11], [sflag:$0x3] =	stream.linear.gather [hbm4b:s31+s1], $0x80, $0x38;
	[tilespmem:$0x8100] =	vst v63  }
0x48: {  	_ =	swait.ge [sflag:s10], $0x80  }
0x49: {  	[sflag:s10] =	ssyncset.done $0x0  }
0x4a: {  	[sflag:s10] =	ssyncadd.s32 $0xFFFFFF80  }
0x4b: {  	[tilespmem:s12], [sflag:$0x1] =	stream.indirect.gather [hbm4b:s3+s11], $0x80, s1, s11, $0xb8;
	[tilespmem:$0x8100] =	vst v63  }
0x4c: {  	_ = 	snop  }
0x4d: {  	[tilespmem:s13], [sflag:$0x2] =	stream.indirect.gather [hbm4b:s4+s11], $0x80, s11, s11, $0xb8;
	[tilespmem:$0x8100] =	vst v63  }
0x4e: {  	_ =	swait.ge [sflag:s14], $0x4000  }
0x4f: {  	[sflag:s14] =	ssyncset.done $0x0  }
0x50: {  	[sflag:s14] =	ssyncadd.s32 $0xFFFFC000  }
0x51: {  	_ =	swait.ge [sflag:s15], $0x4000  }
0x52: {  	[sflag:s15] =	ssyncset.done $0x0  }
0x53: {  	[sflag:s15] =	ssyncadd.s32 $0xFFFFC000  }
0x54: {  	[hbm4b:s18+s1] =	stream.linear.scatter [tilespmem:s12], [sflag:$0x3], $0x4000, $0x38;
	[tilespmem:$0x8100] =	vst v63  }
0x55: {  	s16 =	sadd.s32 $0x1, s16;
	_ =	swait.ge [sflag:s10], $0x4000  }
0x56: {  	p0 =	sne.s32 s16, s5;
	[sflag:s10] =	ssyncset.done $0x0  }
.Ltmp1:
0x57: {  	[sflag:s10] =	ssyncadd.s32 $0xFFFFC000;
	(pc) =	sbr.rel @p0 .LBB2_1-.Ltmp1, $4  }
0x58: {  	[hbm4b:s17+s1] =	stream.linear.scatter [tilespmem:s13], [sflag:$0x3], $0x4000, $0x38;
	[tilespmem:$0x8100] =	vst v63  }
0x59: {  	_ =	swait.ge [sflag:s10], $0x4000  }
0x5a: {  	[sflag:s10] =	ssyncset.done $0x0  }
0x5b: {  	[sflag:s10] =	ssyncadd.s32 $0xFFFFC000  }
0x5c: {  	_ =	sfence.sel $0x180000  }
0x5d: {  	[bflag:$0x0] =	sbarrier.arrive $0xFFFF  }
0x5e: {  	p0 =	sne.s32 s2, $0x0;
	_ =	strace $0x90000047  }
0x5f: {  	s0 =	sadd.s32 @!p0 $0x100000, s0;
	[bflag:$0x2] =	sbarrier.arrive $0xFFFF  }
0x60: {  	[sflag:s0] =	ssyncadd.tile.s32 @!p0 $0x1;
	_ =	shalt  }
.Lfunc_end2:
_tile_overlayer_lowered:
.L_overlay_start_2:
0x61: {  	(tag) =	ssettag $0x2  }
0x62: {  	s0 =	rddreg [dreg:$0x0];
	s2 =	stileid.u32  }
0x63: {  	s1 =	rddreg [dreg:$0x1];
	p0 =	sne.s32 s2, $0x0  }
0x64: {  	s3 =	rddreg [dreg:$0x2];
	[bflag:$0x3] =	sbarrier.arrive $0xFFFF;
	s2 =	simm.s32 @!p0 $0x1C03  }
0x65: {  	[timem:s3], [sflag:s2] =	dma.local @!p0 [hbm:s0], s1  }
0x66: {  	s0 =	simm.s32 @!p0 $0x3  }
0x67: {  	_ =	swait.ge @!p0 [sflag:s0], s1  }
0x68: {  	s1 =	ssub.s32 @!p0 $0x0, s1;
	[sflag:s0] =	ssyncset.done @!p0 $0x0  }
0x69: {  	[sflag:s0] =	ssyncadd.s32 @!p0 s1  }
0x6a: {  	[bflag:$0x3] =	sbarrier.arrive $0xFFFF  }
0x6b: {  	_ =	shalt  }

</sc_bundles>
